<compile_context>
chip_gen: v7x
topology: tpu7x:2x2x1
jax: 0.10.2.dev20260603
libtpu: 0.0.44.dev20260713+nightly
codegen_flags: <defaults>
</compile_context>

<pallas_src>
import jax
import jax.numpy as jnp
from jax import lax
from jax.experimental import pallas as pl
from jax.experimental.pallas import tpu as pltpu
from jax.experimental.pallas import tpu_sc as plsc

VOCAB = 1000000
EMBED_DIM = 64
PAD_DIM = 128
BATCH = 4096
SEQ = 20

_INFO = plsc.get_sparse_core_info()
_NC, _NS = _INFO.num_cores, _INFO.num_subcores
_NW = _NC * _NS
_ROWS = BATCH * SEQ
_CHUNK = 128
_PER_W = _ROWS // _NW
_NCHUNK = _PER_W // _CHUNK
_NBUF = 5
_NROUND = _NCHUNK // _NBUF


def _gather_body(table_hbm, idx_hbm, out_hbm, idx_v, rows_v, gsem):
    wid = lax.axis_index("s") * _NC + lax.axis_index("c")
    base = wid * _PER_W
    pltpu.sync_copy(idx_hbm.at[wid], idx_v)

    def round_(r, carry):
        copies = []
        for b in range(_NBUF):
            copies.append(
                pltpu.async_copy(
                    table_hbm.at[idx_v.at[r * _NBUF + b]],
                    rows_v.at[pl.ds(b * _CHUNK, _CHUNK)],
                    gsem,
                )
            )
        for c in copies:
            c.wait()
        pltpu.sync_copy(
            rows_v,
            out_hbm.at[pl.ds(base + r * _NBUF * _CHUNK, _NBUF * _CHUNK)],
        )
        return carry

    lax.fori_loop(0, _NROUND, round_, 0)


@jax.jit
def _embed_gather(x, table):
    mesh = plsc.VectorSubcoreMesh(core_axis_name="c", subcore_axis_name="s")
    k = pl.kernel(
        _gather_body,
        out_type=jax.ShapeDtypeStruct((_ROWS, PAD_DIM), jnp.float32),
        mesh=mesh,
        scratch_types=[
            pltpu.VMEM((_NCHUNK, _CHUNK), jnp.int32),
            pltpu.VMEM((_NBUF * _CHUNK, PAD_DIM), jnp.float32),
            pltpu.SemaphoreType.DMA,
        ],
        compiler_params=pltpu.CompilerParams(use_tc_tiling_on_sc=True),
    )
    return k(table, x.reshape(_NW, _NCHUNK, _CHUNK))


def kernel(x, input_embedding):
    padded = jnp.pad(input_embedding, ((0, 0), (0, PAD_DIM - EMBED_DIM)))
    out = _embed_gather(x, padded)
    return out[:, :EMBED_DIM].reshape(BATCH, SEQ, EMBED_DIM)

# --- scband reference (transcript-rebuilt; emitter-appended) ---
"""Pipeline reference for scband-embedder-10514079940877 (READ-ONLY COPY).

The authoritative reference and input builder live on the scoring server;
editing this copy changes nothing except your own understanding.
"""

import jax, jax.numpy as jnp
import numpy as np

VOCAB = 1000000
EMBED_DIM = 64
BATCH = 4096
SEQ = 20


def setup_inputs(seed: int = 0) -> dict:
    key = jax.random.key(seed)
    k_idx, k_tbl = jax.random.split(key)
    x = jax.random.randint(k_idx, (BATCH, SEQ), 0, VOCAB, dtype=jnp.int32)
    # Learned parameter: embedding table, normal init per nnx.initializers.normal
    input_embedding = jax.random.normal(k_tbl, (VOCAB, EMBED_DIM), dtype=jnp.float32) * 0.01
    return {"x": x, "input_embedding": input_embedding}


def reference(x, input_embedding):
    # Embedder.encode: gather rows from the table, cast to activation dtype.
    out = jnp.take(input_embedding, x, axis=0)
    out = jnp.astype(out, jnp.float32)
    # shard() is a no-op on CPU / empty mesh
    return out

if __name__ == "__main__":
    import jax
    _d = setup_inputs()
    print(jax.jit(kernel)(*tuple(_d.values())))

</pallas_src>

<mosaic_0001>
#map = affine_map<(d0, d1) -> (0, 0)>
#map1 = affine_map<(d0, d1) -> (0, 0, 0)>
module attributes {stable_mosaic.version = 14 : i64} {
  func.func @_gather_body(%arg0: i32, %arg1: i32, %arg2: memref<1000000x128xf32, #tpu.memory_space<hbm>>, %arg3: memref<32x20x128xi32, #tpu.memory_space<hbm>>, %arg4: memref<81920x128xf32, #tpu.memory_space<hbm>>, %arg5: memref<20x128xi32, #tpu.memory_space<vmem>>, %arg6: memref<640x128xf32, #tpu.memory_space<vmem>>, %arg7: memref<!tpu.dma_semaphore, #tpu.memory_space<semaphore_mem>>) attributes {dimension_semantics = [#tpu.dimension_semantics<core_parallel>, #tpu.dimension_semantics<subcore_parallel>], iteration_bounds = array<i64: 2, 16>, scalar_prefetch = 0 : i64, scratch_operands = 3 : i64, tpu.core_type = #tpu.core_type<sc_vector_subcore>, window_params = [{transform_indices = #map}, {transform_indices = #map1}, {transform_indices = #map}]} {
    %mul3A = arith.constant 2 : i32
    %mul3A_0 = arith.muli %arg1, %mul3A : i32
    %add3A = arith.addi %mul3A_0, %arg0 : i32
    %mul3A_1 = arith.constant 2560 : i32
    %mul3A_2 = arith.muli %add3A, %mul3A_1 : i32
    "tpu.region"() ({
      %run_scoped3A = tpu.sem_alloc : memref<!tpu.dma_semaphore, #tpu.memory_space<semaphore_mem>>
      %dma_start3A = arith.constant 0 : i32
      %dma_start3A_8 = arith.constant 0 : i32
      %dma_start3A_9 = tpu.memref_slice %arg3[%add3A, %dma_start3A, %dma_start3A_8] : memref<32x20x128xi32, #tpu.memory_space<hbm>> -> memref<1x20x128xi32, #tpu.memory_space<hbm>>
      %dma_start3A_10 = tpu.memref_squeeze %dma_start3A_9 : memref<1x20x128xi32, #tpu.memory_space<hbm>> -> memref<20x128xi32, #tpu.memory_space<hbm>>
      %dma_start3A_11 = arith.constant 0 : i32
      %dma_start3A_12 = arith.constant 0 : i32
      %dma_start3A_13 = tpu.memref_slice %arg3[%add3A, %dma_start3A_11, %dma_start3A_12] : memref<32x20x128xi32, #tpu.memory_space<hbm>> -> memref<1x20x128xi32, #tpu.memory_space<hbm>>
      %dma_start3A_14 = tpu.memref_squeeze %dma_start3A_13 : memref<1x20x128xi32, #tpu.memory_space<hbm>> -> memref<20x128xi32, #tpu.memory_space<hbm>>
      tpu.enqueue_dma source(%dma_start3A_14 : memref<20x128xi32, #tpu.memory_space<hbm>>) target(%arg5 : memref<20x128xi32, #tpu.memory_space<vmem>>) target_semaphore(%run_scoped3A : memref<!tpu.dma_semaphore, #tpu.memory_space<semaphore_mem>>)
      %dma_wait3A = arith.constant 0 : i32
      %dma_wait3A_15 = arith.constant 0 : i32
      %dma_wait3A_16 = tpu.memref_slice %arg3[%add3A, %dma_wait3A, %dma_wait3A_15] : memref<32x20x128xi32, #tpu.memory_space<hbm>> -> memref<1x20x128xi32, #tpu.memory_space<hbm>>
      %dma_wait3A_17 = tpu.memref_squeeze %dma_wait3A_16 : memref<1x20x128xi32, #tpu.memory_space<hbm>> -> memref<20x128xi32, #tpu.memory_space<hbm>>
      %dma_wait3A_18 = arith.constant 0 : i32
      %dma_wait3A_19 = arith.constant 0 : i32
      %dma_wait3A_20 = tpu.memref_slice %arg3[%add3A, %dma_wait3A_18, %dma_wait3A_19] : memref<32x20x128xi32, #tpu.memory_space<hbm>> -> memref<1x20x128xi32, #tpu.memory_space<hbm>>
      %dma_wait3A_21 = tpu.memref_squeeze %dma_wait3A_20 : memref<1x20x128xi32, #tpu.memory_space<hbm>> -> memref<20x128xi32, #tpu.memory_space<hbm>>
      tpu.wait_dma2 semaphore(%run_scoped3A : memref<!tpu.dma_semaphore, #tpu.memory_space<semaphore_mem>>) src(%dma_wait3A_21 : memref<20x128xi32, #tpu.memory_space<hbm>>) dst(%arg5 : memref<20x128xi32, #tpu.memory_space<vmem>>)
      tpu.yield
    }) : () -> ()
    %scan3A = arith.constant 0 : i32
    %scan3A_3 = arith.constant 0 : i32
    %scan3A_4 = arith.constant 4 : i32
    %scan3A_5 = arith.addi %scan3A_3, %scan3A_4 : i32
    %scan3A_6 = arith.constant 1 : i32
    scf.for %scan3A_8 = %scan3A_3 to %scan3A_5 step %scan3A_6  : i32 {
      %mul3A_9 = arith.constant 5 : i32
      %mul3A_10 = arith.muli %scan3A_8, %mul3A_9 : i32
      %add3A_11 = arith.constant 0 : i32
      %add3A_12 = arith.addi %mul3A_10, %add3A_11 : i32
      %dma_start3A = arith.constant 0 : i32
      %dma_start3A_13 = arith.constant 0 : i32
      %dma_start3A_14 = tpu.memref_slice %arg6[%dma_start3A, %dma_start3A_13] : memref<640x128xf32, #tpu.memory_space<vmem>> -> memref<128x128xf32, #tpu.memory_space<vmem>>
      %dma_start3A_15 = arith.constant 0 : i32
      %dma_start3A_16 = tpu.memref_slice %arg5[%add3A_12, %dma_start3A_15] : memref<20x128xi32, #tpu.memory_space<vmem>> -> memref<1x128xi32, #tpu.memory_space<vmem>>
      %dma_start3A_17 = tpu.memref_squeeze %dma_start3A_16 : memref<1x128xi32, #tpu.memory_space<vmem>> -> memref<128xi32, #tpu.memory_space<vmem>>
      %dma_start3A_18 = arith.constant 0 : i32
      %dma_start3A_19 = arith.constant 0 : i32
      %dma_start3A_20 = tpu.memref_slice %arg2[%dma_start3A_18, %dma_start3A_19] : memref<1000000x128xf32, #tpu.memory_space<hbm>> -> memref<1000000x128xf32, #tpu.memory_space<hbm>>
      tpu.enqueue_indirect_dma source(%dma_start3A_20 : memref<1000000x128xf32, #tpu.memory_space<hbm>>) target(%dma_start3A_14 : memref<128x128xf32, #tpu.memory_space<vmem>>) offsets(%dma_start3A_17 : memref<128xi32, #tpu.memory_space<vmem>>) semaphore(%arg7 : memref<!tpu.dma_semaphore, #tpu.memory_space<semaphore_mem>>)
      %mul3A_21 = arith.constant 5 : i32
      %mul3A_22 = arith.muli %scan3A_8, %mul3A_21 : i32
      %add3A_23 = arith.constant 1 : i32
      %add3A_24 = arith.addi %mul3A_22, %add3A_23 : i32
      %dma_start3A_25 = arith.constant 128 : i32
      %dma_start3A_26 = arith.constant 0 : i32
      %dma_start3A_27 = tpu.memref_slice %arg6[%dma_start3A_25, %dma_start3A_26] : memref<640x128xf32, #tpu.memory_space<vmem>> -> memref<128x128xf32, #tpu.memory_space<vmem>>
      %dma_start3A_28 = arith.constant 0 : i32
      %dma_start3A_29 = tpu.memref_slice %arg5[%add3A_24, %dma_start3A_28] : memref<20x128xi32, #tpu.memory_space<vmem>> -> memref<1x128xi32, #tpu.memory_space<vmem>>
      %dma_start3A_30 = tpu.memref_squeeze %dma_start3A_29 : memref<1x128xi32, #tpu.memory_space<vmem>> -> memref<128xi32, #tpu.memory_space<vmem>>
      %dma_start3A_31 = arith.constant 0 : i32
      %dma_start3A_32 = arith.constant 0 : i32
      %dma_start3A_33 = tpu.memref_slice %arg2[%dma_start3A_31, %dma_start3A_32] : memref<1000000x128xf32, #tpu.memory_space<hbm>> -> memref<1000000x128xf32, #tpu.memory_space<hbm>>
      tpu.enqueue_indirect_dma source(%dma_start3A_33 : memref<1000000x128xf32, #tpu.memory_space<hbm>>) target(%dma_start3A_27 : memref<128x128xf32, #tpu.memory_space<vmem>>) offsets(%dma_start3A_30 : memref<128xi32, #tpu.memory_space<vmem>>) semaphore(%arg7 : memref<!tpu.dma_semaphore, #tpu.memory_space<semaphore_mem>>)
      %mul3A_34 = arith.constant 5 : i32
      %mul3A_35 = arith.muli %scan3A_8, %mul3A_34 : i32
      %add3A_36 = arith.constant 2 : i32
      %add3A_37 = arith.addi %mul3A_35, %add3A_36 : i32
      %dma_start3A_38 = arith.constant 256 : i32
      %dma_start3A_39 = arith.constant 0 : i32
      %dma_start3A_40 = tpu.memref_slice %arg6[%dma_start3A_38, %dma_start3A_39] : memref<640x128xf32, #tpu.memory_space<vmem>> -> memref<128x128xf32, #tpu.memory_space<vmem>>
      %dma_start3A_41 = arith.constant 0 : i32
      %dma_start3A_42 = tpu.memref_slice %arg5[%add3A_37, %dma_start3A_41] : memref<20x128xi32, #tpu.memory_space<vmem>> -> memref<1x128xi32, #tpu.memory_space<vmem>>
      %dma_start3A_43 = tpu.memref_squeeze %dma_start3A_42 : memref<1x128xi32, #tpu.memory_space<vmem>> -> memref<128xi32, #tpu.memory_space<vmem>>
      %dma_start3A_44 = arith.constant 0 : i32
      %dma_start3A_45 = arith.constant 0 : i32
      %dma_start3A_46 = tpu.memref_slice %arg2[%dma_start3A_44, %dma_start3A_45] : memref<1000000x128xf32, #tpu.memory_space<hbm>> -> memref<1000000x128xf32, #tpu.memory_space<hbm>>
      tpu.enqueue_indirect_dma source(%dma_start3A_46 : memref<1000000x128xf32, #tpu.memory_space<hbm>>) target(%dma_start3A_40 : memref<128x128xf32, #tpu.memory_space<vmem>>) offsets(%dma_start3A_43 : memref<128xi32, #tpu.memory_space<vmem>>) semaphore(%arg7 : memref<!tpu.dma_semaphore, #tpu.memory_space<semaphore_mem>>)
      %mul3A_47 = arith.constant 5 : i32
      %mul3A_48 = arith.muli %scan3A_8, %mul3A_47 : i32
      %add3A_49 = arith.constant 3 : i32
      %add3A_50 = arith.addi %mul3A_48, %add3A_49 : i32
      %dma_start3A_51 = arith.constant 384 : i32
      %dma_start3A_52 = arith.constant 0 : i32
      %dma_start3A_53 = tpu.memref_slice %arg6[%dma_start3A_51, %dma_start3A_52] : memref<640x128xf32, #tpu.memory_space<vmem>> -> memref<128x128xf32, #tpu.memory_space<vmem>>
      %dma_start3A_54 = arith.constant 0 : i32
      %dma_start3A_55 = tpu.memref_slice %arg5[%add3A_50, %dma_start3A_54] : memref<20x128xi32, #tpu.memory_space<vmem>> -> memref<1x128xi32, #tpu.memory_space<vmem>>
      %dma_start3A_56 = tpu.memref_squeeze %dma_start3A_55 : memref<1x128xi32, #tpu.memory_space<vmem>> -> memref<128xi32, #tpu.memory_space<vmem>>
      %dma_start3A_57 = arith.constant 0 : i32
      %dma_start3A_58 = arith.constant 0 : i32
      %dma_start3A_59 = tpu.memref_slice %arg2[%dma_start3A_57, %dma_start3A_58] : memref<1000000x128xf32, #tpu.memory_space<hbm>> -> memref<1000000x128xf32, #tpu.memory_space<hbm>>
      tpu.enqueue_indirect_dma source(%dma_start3A_59 : memref<1000000x128xf32, #tpu.memory_space<hbm>>) target(%dma_start3A_53 : memref<128x128xf32, #tpu.memory_space<vmem>>) offsets(%dma_start3A_56 : memref<128xi32, #tpu.memory_space<vmem>>) semaphore(%arg7 : memref<!tpu.dma_semaphore, #tpu.memory_space<semaphore_mem>>)
      %mul3A_60 = arith.constant 5 : i32
      %mul3A_61 = arith.muli %scan3A_8, %mul3A_60 : i32
      %add3A_62 = arith.constant 4 : i32
      %add3A_63 = arith.addi %mul3A_61, %add3A_62 : i32
      %dma_start3A_64 = arith.constant 512 : i32
      %dma_start3A_65 = arith.constant 0 : i32
      %dma_start3A_66 = tpu.memref_slice %arg6[%dma_start3A_64, %dma_start3A_65] : memref<640x128xf32, #tpu.memory_space<vmem>> -> memref<128x128xf32, #tpu.memory_space<vmem>>
      %dma_start3A_67 = arith.constant 0 : i32
      %dma_start3A_68 = tpu.memref_slice %arg5[%add3A_63, %dma_start3A_67] : memref<20x128xi32, #tpu.memory_space<vmem>> -> memref<1x128xi32, #tpu.memory_space<vmem>>
      %dma_start3A_69 = tpu.memref_squeeze %dma_start3A_68 : memref<1x128xi32, #tpu.memory_space<vmem>> -> memref<128xi32, #tpu.memory_space<vmem>>
      %dma_start3A_70 = arith.constant 0 : i32
      %dma_start3A_71 = arith.constant 0 : i32
      %dma_start3A_72 = tpu.memref_slice %arg2[%dma_start3A_70, %dma_start3A_71] : memref<1000000x128xf32, #tpu.memory_space<hbm>> -> memref<1000000x128xf32, #tpu.memory_space<hbm>>
      tpu.enqueue_indirect_dma source(%dma_start3A_72 : memref<1000000x128xf32, #tpu.memory_space<hbm>>) target(%dma_start3A_66 : memref<128x128xf32, #tpu.memory_space<vmem>>) offsets(%dma_start3A_69 : memref<128xi32, #tpu.memory_space<vmem>>) semaphore(%arg7 : memref<!tpu.dma_semaphore, #tpu.memory_space<semaphore_mem>>)
      %dma_wait3A = arith.constant 0 : i32
      %dma_wait3A_73 = arith.constant 0 : i32
      %dma_wait3A_74 = tpu.memref_slice %arg6[%dma_wait3A, %dma_wait3A_73] : memref<640x128xf32, #tpu.memory_space<vmem>> -> memref<128x128xf32, #tpu.memory_space<vmem>>
      %dma_wait3A_75 = arith.constant 0 : i32
      %dma_wait3A_76 = tpu.memref_slice %arg5[%add3A_12, %dma_wait3A_75] : memref<20x128xi32, #tpu.memory_space<vmem>> -> memref<1x128xi32, #tpu.memory_space<vmem>>
      %dma_wait3A_77 = tpu.memref_squeeze %dma_wait3A_76 : memref<1x128xi32, #tpu.memory_space<vmem>> -> memref<128xi32, #tpu.memory_space<vmem>>
      %dma_wait3A_78 = arith.constant 0 : i32
      %dma_wait3A_79 = arith.constant 0 : i32
      %dma_wait3A_80 = tpu.memref_slice %arg2[%dma_wait3A_78, %dma_wait3A_79] : memref<1000000x128xf32, #tpu.memory_space<hbm>> -> memref<1000000x128xf32, #tpu.memory_space<hbm>>
      tpu.wait_indirect_dma semaphore(%arg7 : memref<!tpu.dma_semaphore, #tpu.memory_space<semaphore_mem>>) src(%dma_wait3A_80 : memref<1000000x128xf32, #tpu.memory_space<hbm>>) dst(%dma_wait3A_74 : memref<128x128xf32, #tpu.memory_space<vmem>>)
      %dma_wait3A_81 = arith.constant 128 : i32
      %dma_wait3A_82 = arith.constant 0 : i32
      %dma_wait3A_83 = tpu.memref_slice %arg6[%dma_wait3A_81, %dma_wait3A_82] : memref<640x128xf32, #tpu.memory_space<vmem>> -> memref<128x128xf32, #tpu.memory_space<vmem>>
      %dma_wait3A_84 = arith.constant 0 : i32
      %dma_wait3A_85 = tpu.memref_slice %arg5[%add3A_24, %dma_wait3A_84] : memref<20x128xi32, #tpu.memory_space<vmem>> -> memref<1x128xi32, #tpu.memory_space<vmem>>
      %dma_wait3A_86 = tpu.memref_squeeze %dma_wait3A_85 : memref<1x128xi32, #tpu.memory_space<vmem>> -> memref<128xi32, #tpu.memory_space<vmem>>
      %dma_wait3A_87 = arith.constant 0 : i32
      %dma_wait3A_88 = arith.constant 0 : i32
      %dma_wait3A_89 = tpu.memref_slice %arg2[%dma_wait3A_87, %dma_wait3A_88] : memref<1000000x128xf32, #tpu.memory_space<hbm>> -> memref<1000000x128xf32, #tpu.memory_space<hbm>>
      tpu.wait_indirect_dma semaphore(%arg7 : memref<!tpu.dma_semaphore, #tpu.memory_space<semaphore_mem>>) src(%dma_wait3A_89 : memref<1000000x128xf32, #tpu.memory_space<hbm>>) dst(%dma_wait3A_83 : memref<128x128xf32, #tpu.memory_space<vmem>>)
      %dma_wait3A_90 = arith.constant 256 : i32
      %dma_wait3A_91 = arith.constant 0 : i32
      %dma_wait3A_92 = tpu.memref_slice %arg6[%dma_wait3A_90, %dma_wait3A_91] : memref<640x128xf32, #tpu.memory_space<vmem>> -> memref<128x128xf32, #tpu.memory_space<vmem>>
      %dma_wait3A_93 = arith.constant 0 : i32
      %dma_wait3A_94 = tpu.memref_slice %arg5[%add3A_37, %dma_wait3A_93] : memref<20x128xi32, #tpu.memory_space<vmem>> -> memref<1x128xi32, #tpu.memory_space<vmem>>
      %dma_wait3A_95 = tpu.memref_squeeze %dma_wait3A_94 : memref<1x128xi32, #tpu.memory_space<vmem>> -> memref<128xi32, #tpu.memory_space<vmem>>
      %dma_wait3A_96 = arith.constant 0 : i32
      %dma_wait3A_97 = arith.constant 0 : i32
      %dma_wait3A_98 = tpu.memref_slice %arg2[%dma_wait3A_96, %dma_wait3A_97] : memref<1000000x128xf32, #tpu.memory_space<hbm>> -> memref<1000000x128xf32, #tpu.memory_space<hbm>>
      tpu.wait_indirect_dma semaphore(%arg7 : memref<!tpu.dma_semaphore, #tpu.memory_space<semaphore_mem>>) src(%dma_wait3A_98 : memref<1000000x128xf32, #tpu.memory_space<hbm>>) dst(%dma_wait3A_92 : memref<128x128xf32, #tpu.memory_space<vmem>>)
      %dma_wait3A_99 = arith.constant 384 : i32
      %dma_wait3A_100 = arith.constant 0 : i32
      %dma_wait3A_101 = tpu.memref_slice %arg6[%dma_wait3A_99, %dma_wait3A_100] : memref<640x128xf32, #tpu.memory_space<vmem>> -> memref<128x128xf32, #tpu.memory_space<vmem>>
      %dma_wait3A_102 = arith.constant 0 : i32
      %dma_wait3A_103 = tpu.memref_slice %arg5[%add3A_50, %dma_wait3A_102] : memref<20x128xi32, #tpu.memory_space<vmem>> -> memref<1x128xi32, #tpu.memory_space<vmem>>
      %dma_wait3A_104 = tpu.memref_squeeze %dma_wait3A_103 : memref<1x128xi32, #tpu.memory_space<vmem>> -> memref<128xi32, #tpu.memory_space<vmem>>
      %dma_wait3A_105 = arith.constant 0 : i32
      %dma_wait3A_106 = arith.constant 0 : i32
      %dma_wait3A_107 = tpu.memref_slice %arg2[%dma_wait3A_105, %dma_wait3A_106] : memref<1000000x128xf32, #tpu.memory_space<hbm>> -> memref<1000000x128xf32, #tpu.memory_space<hbm>>
      tpu.wait_indirect_dma semaphore(%arg7 : memref<!tpu.dma_semaphore, #tpu.memory_space<semaphore_mem>>) src(%dma_wait3A_107 : memref<1000000x128xf32, #tpu.memory_space<hbm>>) dst(%dma_wait3A_101 : memref<128x128xf32, #tpu.memory_space<vmem>>)
      %dma_wait3A_108 = arith.constant 512 : i32
      %dma_wait3A_109 = arith.constant 0 : i32
      %dma_wait3A_110 = tpu.memref_slice %arg6[%dma_wait3A_108, %dma_wait3A_109] : memref<640x128xf32, #tpu.memory_space<vmem>> -> memref<128x128xf32, #tpu.memory_space<vmem>>
      %dma_wait3A_111 = arith.constant 0 : i32
      %dma_wait3A_112 = tpu.memref_slice %arg5[%add3A_63, %dma_wait3A_111] : memref<20x128xi32, #tpu.memory_space<vmem>> -> memref<1x128xi32, #tpu.memory_space<vmem>>
      %dma_wait3A_113 = tpu.memref_squeeze %dma_wait3A_112 : memref<1x128xi32, #tpu.memory_space<vmem>> -> memref<128xi32, #tpu.memory_space<vmem>>
      %dma_wait3A_114 = arith.constant 0 : i32
      %dma_wait3A_115 = arith.constant 0 : i32
      %dma_wait3A_116 = tpu.memref_slice %arg2[%dma_wait3A_114, %dma_wait3A_115] : memref<1000000x128xf32, #tpu.memory_space<hbm>> -> memref<1000000x128xf32, #tpu.memory_space<hbm>>
      tpu.wait_indirect_dma semaphore(%arg7 : memref<!tpu.dma_semaphore, #tpu.memory_space<semaphore_mem>>) src(%dma_wait3A_116 : memref<1000000x128xf32, #tpu.memory_space<hbm>>) dst(%dma_wait3A_110 : memref<128x128xf32, #tpu.memory_space<vmem>>)
      %mul3A_117 = arith.constant 5 : i32
      %mul3A_118 = arith.muli %scan3A_8, %mul3A_117 : i32
      %mul3A_119 = arith.constant 128 : i32
      %mul3A_120 = arith.muli %mul3A_118, %mul3A_119 : i32
      %add3A_121 = arith.addi %mul3A_2, %mul3A_120 : i32
      "tpu.region"() ({
        %run_scoped3A = tpu.sem_alloc : memref<!tpu.dma_semaphore, #tpu.memory_space<semaphore_mem>>
        %dma_start3A_122 = arith.constant 0 : i32
        %dma_start3A_123 = tpu.memref_slice %arg4[%add3A_121, %dma_start3A_122] : memref<81920x128xf32, #tpu.memory_space<hbm>> -> memref<640x128xf32, #tpu.memory_space<hbm>>
        %dma_start3A_124 = arith.constant 0 : i32
        %dma_start3A_125 = tpu.memref_slice %arg4[%add3A_121, %dma_start3A_124] : memref<81920x128xf32, #tpu.memory_space<hbm>> -> memref<640x128xf32, #tpu.memory_space<hbm>>
        tpu.enqueue_dma source(%arg6 : memref<640x128xf32, #tpu.memory_space<vmem>>) target(%dma_start3A_125 : memref<640x128xf32, #tpu.memory_space<hbm>>) target_semaphore(%run_scoped3A : memref<!tpu.dma_semaphore, #tpu.memory_space<semaphore_mem>>)
        %dma_wait3A_126 = arith.constant 0 : i32
        %dma_wait3A_127 = tpu.memref_slice %arg4[%add3A_121, %dma_wait3A_126] : memref<81920x128xf32, #tpu.memory_space<hbm>> -> memref<640x128xf32, #tpu.memory_space<hbm>>
        %dma_wait3A_128 = arith.constant 0 : i32
        %dma_wait3A_129 = tpu.memref_slice %arg4[%add3A_121, %dma_wait3A_128] : memref<81920x128xf32, #tpu.memory_space<hbm>> -> memref<640x128xf32, #tpu.memory_space<hbm>>
        tpu.wait_dma2 semaphore(%run_scoped3A : memref<!tpu.dma_semaphore, #tpu.memory_space<semaphore_mem>>) src(%arg6 : memref<640x128xf32, #tpu.memory_space<vmem>>) dst(%dma_wait3A_129 : memref<640x128xf32, #tpu.memory_space<hbm>>)
        tpu.yield
      }) : () -> ()
    }
    %scan3A_7 = arith.constant 4 : i32
    return
  }
}

</mosaic_0001>

<sc_bundles>
// kernel: _embed_gather.3.cloned.1.call-start
scs
__scs_entry_jumppad:
0x0: {  	(pc) =	sbr.rel $0x88, $3  }
0x1: {  	(tag) =	ssettag $0x0;
	lr =	simm.s32 $0x1  }
0x2: {  	[smem:$0x3F9F] =	sst lr;
	_ =	strace $0xD0000000  }
0x3: {  	_ = 	snop  }
0x4: {  	_ = 	snop  }
0x5: {  	_ = 	snop  }
0x6: {  	_ = 	snop  }
0x7: {  	_ = 	snop  }
__scs_overlays_trampoline_lowered:
0x8: {  	[smem:$0x3FAE] =	sst s0  }
0x9: {  	[smem:$0x3FAF] =	sst s1  }
0xa: {  	[smem:$0x3FB0] =	sst s2  }
0xb: {  	[smem:$0x3FB1] =	sst s3  }
0xc: {  	[smem:$0x3FB2] =	sst s4  }
0xd: {  	[smem:$0x3FB3] =	sst s5  }
0xe: {  	[smem:$0x3FB4] =	sst s6  }
0xf: {  	[smem:$0x3FB5] =	sst s7  }
0x10: {  	[smem:$0x3FB6] =	sst s8  }
0x11: {  	[smem:$0x3FB7] =	sst s9;
	s0 =	simm.s32 @!p0 $0x0  }
0x12: {  	s1 =	sld [smem:$0x3F9D];
	s0 =	simm.s32 @p0 $0x1  }
0x13: {  	[smem:$0x3FB8] =	sst s0;
	s0 =	simm.s32 @!p1 $0x0  }
0x14: {  	s2 =	sld [smem:$0x3F9C];
	s0 =	simm.s32 @p1 $0x1  }
0x15: {  	[smem:$0x3FB9] =	sst s0;
	s0 =	simm.s32 @!p2 $0x0  }
0x16: {  	s3 =	sld [smem:$0x3FDB];
	s0 =	simm.s32 @p2 $0x1  }
0x17: {  	s4 =	simm.s32 $0x1BF5;
	[smem:$0x3FBB] =	sst s0  }
0x18: {  	s0 =	sld [smem:$0x3F9E];
	_ =	swait.ge [sflag:s4], $0x0  }
0x19: {  	s7 =	sld [smem:$0x3F9F]  }
0x1a: {  	s8 =	sadd.s32 $0xFFFFE003, lr  }
0x1b: {  	s9 =	sadd.s32 $0xFFFFFEF7, lr;
	s5 =	simm.s32 $0xFFFFFFFF;
	p2 =	slt.u32 s8, $0xFFFFF086  }
0x1c: {  	p1 =	slt.u32 s9, $0xF7A;
	s5 =	simm.s32 @!p2 $0x0  }
0x1d: {  	s5 =	simm.s32 @p1 $0x1;
	p0 =	seq.s32 s7, s2  }
0x1e: {  	s7 =	smul.u32 @!p0 $0xF7A, s2;
	p2 =	seq.s32 @!p0 s5, $0x0  }
0x1f: {  	s9 =	smul.u32 $0xF7A, s1;
	s8 =	simm.s32 @!p0 $0x1BF5;
	p2 =	por !p2, p0  }
0x20: {  	[sflag:s8] =	ssyncset.s32 @!p0 $0xFFFFF086;
	s6 =	sadd.s32 @!p0 s3, s7;
	s7 =	simm.s32 @!p0 $0x108  }
0x21: {  	s3 =	sadd.s32 s3, s9;
	s6 =	sadd.s32 @!p0 $0x88, s6;
	s7 =	simm.s32 @p2 $0x1082  }
0x22: {  	[simem:s7], [sflag:s8] =	dma.local @!p0 [hbm:s6], $0xF7A  }
0x23: {  	s9 =	sor.u32 $0xD0000000, s2;
	s6 =	simm.s32 $0x108;
	_ =	swait.ge @!p0 [sflag:s8], $0x0  }
0x24: {  	s3 =	sadd.s32 $0x88, s3;
	s6 =	simm.s32 @!p1 $0x1082;
	[sflag:s4] =	ssyncset.s32 $0xFFFFF086  }
0x25: {  	[simem:s6], [sflag:s4] =	dma.local [hbm:s3], $0xF7A  }
0x26: {  	[smem:$0x3F9F] =	sst s1;
	(tag) =	ssettag s2;
	_ =	strace s9  }
0x27: {  	s1 =	sld [smem:$0x3FAF]  }
0x28: {  	s2 =	sld [smem:$0x3FB0]  }
0x29: {  	s4 =	sld [smem:$0x3FB2]  }
0x2a: {  	p0 =	seq.s32 s5, $0x0;
	s5 =	sld [smem:$0x3FB3]  }
0x2b: {  	s6 =	sld [smem:$0x3FB4]  }
0x2c: {  	s7 =	sld [smem:$0x3FB5]  }
0x2d: {  	s3 =	simm.s32 $0x108;
	s8 =	sld [smem:$0x3FB6]  }
0x2e: {  	s3 =	simm.s32 @!p0 $0x1082;
	s9 =	sld [smem:$0x3FB7]  }
0x2f: {  	lr =	sadd.s32 s0, s3;
	s0 =	sld [smem:$0x3FAE]  }
0x30: {  	s3 =	sld [smem:$0x3FB1]  }
0x31: {  	[smem:$0x3FBA] =	sst s10  }
0x32: {  	s10 =	sld [smem:$0x3FB8];
	_ =	sdelay $0x3  }
0x33: {  	p0 =	seq.s32 s10, $0x1;
	s10 =	sld [smem:$0x3FBA];
	_ =	sdelay $0x3  }
0x34: {  	[smem:$0x3FBA] =	sst s10  }
0x35: {  	s10 =	sld [smem:$0x3FB9];
	_ =	sdelay $0x3  }
0x36: {  	p1 =	seq.s32 s10, $0x1;
	s10 =	sld [smem:$0x3FBA];
	_ =	sdelay $0x3  }
0x37: {  	[smem:$0x3FBA] =	sst s10  }
0x38: {  	s10 =	sld [smem:$0x3FBB]  }
0x39: {  	_ = 	snop;
	(pc) =	sbr.ind lr, $3  }
0x3a: {  	_ = 	snop  }
0x3b: {  	_ = 	snop  }
0x3c: {  	p2 =	seq.s32 s10, $0x1;
	s10 =	sld [smem:$0x3FBA]  }
0x3d: {  	_ =	shalt  }
0x3e: {  	_ =	shalt  }
0x3f: {  	_ =	shalt  }
0x40: {  	_ =	shalt  }
0x41: {  	_ =	shalt  }
0x42: {  	_ =	shalt  }
0x43: {  	_ =	shalt  }
0x44: {  	_ =	shalt  }
0x45: {  	_ =	shalt  }
0x46: {  	_ =	shalt  }
0x47: {  	_ =	shalt  }
0x48: {  	_ =	shalt  }
0x49: {  	_ =	shalt  }
0x4a: {  	_ =	shalt  }
0x4b: {  	_ =	shalt  }
0x4c: {  	_ =	shalt  }
0x4d: {  	_ =	shalt  }
0x4e: {  	_ =	shalt  }
0x4f: {  	_ =	shalt  }
0x50: {  	_ =	shalt  }
0x51: {  	_ =	shalt  }
0x52: {  	_ =	shalt  }
0x53: {  	_ =	shalt  }
0x54: {  	_ =	shalt  }
0x55: {  	_ =	shalt  }
0x56: {  	_ =	shalt  }
0x57: {  	_ =	shalt  }
0x58: {  	_ =	shalt  }
0x59: {  	_ =	shalt  }
0x5a: {  	_ =	shalt  }
0x5b: {  	_ =	shalt  }
0x5c: {  	_ =	shalt  }
0x5d: {  	_ =	shalt  }
0x5e: {  	_ =	shalt  }
0x5f: {  	_ =	shalt  }
0x60: {  	_ =	shalt  }
0x61: {  	_ =	shalt  }
0x62: {  	_ =	shalt  }
0x63: {  	_ =	shalt  }
0x64: {  	_ =	shalt  }
0x65: {  	_ =	shalt  }
0x66: {  	_ =	shalt  }
0x67: {  	_ =	shalt  }
0x68: {  	_ =	shalt  }
0x69: {  	_ =	shalt  }
0x6a: {  	_ =	shalt  }
0x6b: {  	_ =	shalt  }
0x6c: {  	_ =	shalt  }
0x6d: {  	_ =	shalt  }
0x6e: {  	_ =	shalt  }
0x6f: {  	_ =	shalt  }
0x70: {  	_ =	shalt  }
0x71: {  	_ =	shalt  }
0x72: {  	_ =	shalt  }
0x73: {  	_ =	shalt  }
0x74: {  	_ =	shalt  }
0x75: {  	_ =	shalt  }
0x76: {  	_ =	shalt  }
0x77: {  	_ =	shalt  }
0x78: {  	_ =	shalt  }
0x79: {  	_ =	shalt  }
0x7a: {  	_ =	shalt  }
0x7b: {  	_ =	shalt  }
0x7c: {  	_ =	shalt  }
0x7d: {  	_ =	shalt  }
0x7e: {  	_ =	shalt  }
0x7f: {  	_ =	shalt  }
0x80: {  	_ =	shalt  }
0x81: {  	_ =	shalt  }
0x82: {  	_ =	shalt  }
0x83: {  	_ =	shalt  }
0x84: {  	_ =	shalt  }
0x85: {  	_ =	shalt  }
0x86: {  	_ =	shalt  }
0x87: {  	_ =	shalt  }
.Lfunc_end0:
.L_simem_size_0:
called_computation_lowered:
.L_overlay_start_0:
0x88: {  	s2 =	sld [smem:$0x3FD9]  }
0x89: {  	s3 =	sld [smem:$0x3FFE];
	_ =	sdelay $0x1  }
0x8a: {  	s1 =	srdreg.scid  }
0x8b: {  	s0 =	sand.u32 $0x1, s1  }
0x8c: {  	s17 =	sshll.u32 s0, $0xA;
	s2 =	sadd.s32 s3, s2  }
0x8d: {  	s2 =	sadd.s32 s2, s17  }
0x8e: {  	[smem:$0x3FC6] =	sst s2  }
0x8f: {  	_ = 	snop  }
0x90: {  	s2 =	sld [smem:$0x3FC8]  }
0x91: {  	s18 =	sld [smem:$0x3FD0];
	(tm) =	ssettm $0x1  }
0x92: {  	s4 =	sld [smem:$0x3FFB];
	_ =	sdelay $0x3  }
0x93: {  	_ =	strace s4  }
0x94: {  	s4 =	sld [smem:$0x3FFC];
	_ =	sdelay $0x3  }
0x95: {  	_ =	strace s4  }
0x96: {  	s4 =	sld [smem:$0x3FFD];
	_ =	sdelay $0x3  }
0x97: {  	_ =	strace s4  }
0x98: {  	_ =	strace $0x8FFFFFFF  }
0x99: {  	s19 =	sld [smem:$0x3FDB];
	_ =	sdelay $0x1  }
0x9a: {  	s5 =	simm.s32 $_scs_section_size  }
0x9b: {  	s6 =	simm.s32 $_size__tile_overlayer_lowered;
	s7 =	simm.s32 $_tile_overlayer_lowered  }
0x9c: {  	s22 =	simm.s32 $0x1BFF;
	s21 =	sshll.u32 s7, $0x1;
	s4 =	sadd.s32 s5, s19  }
0x9d: {  	s8 =	simm.s32 $0x0;
	s20 =	sshll.u32 s6, $0x1;
	s6 =	sadd.s32 s21, s4  }
0x9e: {  	[timem:s8], [sflag:s22] =	dma.local [hbm:s6], s20  }
0x9f: {  	_ =	swait.ge [sflag:s22], s20  }
0xa0: {  	s5 =	ssub.s32 $0x0, s20;
	[sflag:s22] =	ssyncset.done $0x0  }
0xa1: {  	[sflag:s22] =	ssyncadd.s32 s5;
	_ =	sdelay $0x1  }
0xa2: {  	s23 =	simm.s32 $0x1B8B  }
0xa3: {  	_ =	swait.ge [sflag:s23], $0x1  }
0xa4: {  	[sflag:s23] =	ssyncset.done $0x0  }
0xa5: {  	s25 =	simm.s32 $0x1B8E;
	s24 =	sld [smem:$0x3FFE];
	[sflag:s23] =	ssyncadd.s32 $0xFFFFFFFF  }
0xa6: {  	s26 =	simm.s32 $execute0_lowered;
	[smem:$0x3FD2] =	sst s25  }
0xa7: {  	s6 =	sshll.u32 s26, $0x1;
	_ =	strace $0x80000046;
	[dreg:$0x1] =	wrdreg $0xFFFFFFFF  }
0xa8: {  	s28 =	simm.s32 $_size_execute0_lowered;
	s4 =	sadd.s32 s4, s6;
	[dreg:$0x0] =	wrdreg $0x0  }
0xa9: {  	s6 =	sshll.u32 s28, $0x1;
	[dreg:$0x2] =	wrdreg s4  }
0xaa: {  	[dreg:$0x3] =	wrdreg s6  }
0xab: {  	[dreg:$0x4] =	wrdreg $0xC0  }
0xac: {  	_ =	task [dreg:s8], $0x5FFFF  }
0xad: {  	[dreg:$0x1] =	wrdreg $0xFFFFFFFF  }
0xae: {  	[dreg:$0x0] =	wrdreg $0x60  }
0xaf: {  	[dreg:$0x2] =	wrdreg s2  }
0xb0: {  	[dreg:$0x3] =	wrdreg s24  }
0xb1: {  	[dreg:$0x4] =	wrdreg s18  }
0xb2: {  	[dreg:$0x5] =	wrdreg $0x9  }
0xb3: {  	_ =	task.clear_ibuf [dreg:s8], $0x6FFFF;
	_ =	strace $0x90000046  }
0xb4: {  	s29 =	simm.s32 $0x9;
	_ =	strace $0x80000048  }
0xb5: {  	_ =	swait.ge [sflag:s29], $0x1  }
0xb6: {  	[sflag:s29] =	ssyncadd.s32 $0xFFFFFFFF  }
0xb7: {  	_ =	strace $0x90000048  }
0xb8: {  	_ =	sfence  }
0xb9: {  	s30 =	sld [smem:$0x0];
	_ =	sdelay $0x2  }
0xba: {  	s31 =	sshll.u32 s1, $0xD;
	s1 =	sshrl.u32 s1, $0x2  }
0xbb: {  	s3 =	sand.u32 $0x4000, s31;
	s1 =	sadd.s32 s1, s30  }
0xbc: {  	s0 =	sor.u32 s3, s0;
	s1 =	sshll.u32 s1, $0x11  }
0xbd: {  	s0 =	sor.u32 s1, s0  }
0xbe: {  	s0 =	sadd.s32 $0x8F2B, s0  }
0xbf: {  	[sflag:s0] =	ssyncadd.remote.s32 $0x1  }
0xc0: {  	_ =	sfence.sel $0xFFFF  }
0xc1: {  	[dreg:$0x0] =	wrdreg $0xFFFFFFFF;
	(pc) =	sbr.abs _section_cstart, $3  }
0xc2: {  	[dreg:$0x1] =	wrdreg $0xFFFFFFFF  }
0xc3: {  	_ =	task.clear_ibuf [dreg:s8], $0x2FFFF;
	_ =	strace $0x9FFFFFFF  }
0xc4: {  	(tm) =	ssettm $0x7FFFFFFF  }
0xc5: {  	_ =	shalt  }
tec
execute0_lowered:
.L_overlay_start_1:
0x0: {  	(tag) =	ssettag $0x1  }
0x1: {  	s0 =	srdreg.scid;
	s3 =	rddreg [dreg:$0x0]  }
0x2: {  	s1 =	stileid.u32;
	s4 =	rddreg [dreg:$0x1]  }
0x3: {  	s5 =	rddreg [dreg:$0x2];
	s2 =	simm.s32 $0x0;
	s7 =	simm.s32 $0x80  }
0x4: {  	s8 =	simm.s32 $0x4C00;
	s29 =	simm.s32 $0x100;
	s9 =	simm.s32 $0x8C00  }
0x5: {  	s30 =	simm.s32 $0x180;
	s10 =	simm.s32 $0xCC00;
	s31 =	simm.s32 $0x200  }
0x6: {  	s11 =	simm.s32 $0x10C00;
	s23 =	simm.s32 $0x280;
	s28 =	simm.s32 $0x480  }
0x7: {  	s17 =	simm.s32 $0x500;
	s18 =	simm.s32 $0x580;
	s19 =	simm.s32 $0x600  }
0x8: {  	s20 =	simm.s32 $0x680;
	p0 =	por $0x0, $0x0;
	s22 =	simm.s32 $0x700  }
0x9: {  	s12 =	simm.s32 $0x780;
	s13 =	simm.s32 $0x800;
	s14 =	simm.s32 $0x880  }
0xa: {  	s15 =	simm.s32 $0x900;
	s0 =	sand.u32 $0x1, s0;
	s1 =	sshll.u32 s1, $0x1  }
0xb: {  	s16 =	simm.s32 $0x980;
	s1 =	sor.u32 s0, s1;
	s0 =	ssub.s32 $0x2, s0  }
0xc: {  	[smem:$0x7FF] =	sst s2;
	s6 =	smul.u32 $0x180, s1;
	s24 =	sshrl.u32 s0, $0x1  }
0xd: {  	_ =	strace $0x80000047;
	s1 =	smul.u32 $0xA000, s1;
	s0 =	ssub.s32 s0, s24  }
0xe: {  	s24 =	simm.s32 $0x300;
	s4 =	sadd.s32 s6, s4;
	s0 =	smax.u32 s0, $0x1  }
0xf: {  	s21 =	sadd.s32 s5, s1;
	s4 =	sadd.s32 $0x400, s4;
	p1 =	sne.s32 s0, $0x1  }
.Ltmp0:
0x10: {  	s1 =	sadd.s32 $0x2800, s21;
	[dreg:$0x4] =	wrdreg s4;
	(pc) =	sbr.rel @!p1 .LBB2_3-.Ltmp0, $4  }
0x11: {  	s5 =	simm.s32 $0xC00;
	s25 =	sadd.s32 $0x5000, s21;
	[dreg:$0x5] =	wrdreg s1  }
0x12: {  	s6 =	simm.s32 $0x1;
	s26 =	sadd.s32 $0x7800, s21;
	[dreg:$0x6] =	wrdreg s25  }
0x13: {  	[dreg:$0x7] =	wrdreg s26;
	s4 =	simm.s32 $0x2;
	s25 =	simm.s32 $0x380  }
0x14: {  	s26 =	simm.s32 $0x400;
	s1 =	sadd.s32 $0xFFFFFFFF, s0;
	s0 =	rddreg [dreg:$0x4]  }
0x15: {  	[tilespmem:s2], [sflag:$0x2] =	stream.linear.gather [hbm4b:s0+s2], $0xA00, $0x38;
	[tilespmem:$0x14C00] =	vst v63  }
0x16: {  	_ =	swait.ge [sflag:s4], $0xA00  }
0x17: {  	[sflag:s4] =	ssyncset.done $0x0  }
0x18: {  	[sflag:s4] =	ssyncadd.s32 $0xFFFFF600  }
0x19: {  	[tilespmem:s5], [sflag:$0x1] =	stream.indirect.gather [hbm4b:s3+s7], $0x80, s2, s7, $0xb8;
	[tilespmem:$0x14C00] =	vst v63  }
0x1a: {  	_ = 	snop  }
0x1b: {  	[tilespmem:s8], [sflag:$0x1] =	stream.indirect.gather [hbm4b:s3+s7], $0x80, s7, s7, $0xb8;
	[tilespmem:$0x14C00] =	vst v63  }
0x1c: {  	_ = 	snop  }
0x1d: {  	[tilespmem:s9], [sflag:$0x1] =	stream.indirect.gather [hbm4b:s3+s7], $0x80, s29, s7, $0xb8;
	[tilespmem:$0x14C00] =	vst v63  }
0x1e: {  	_ = 	snop  }
0x1f: {  	[tilespmem:s10], [sflag:$0x1] =	stream.indirect.gather [hbm4b:s3+s7], $0x80, s30, s7, $0xb8;
	[tilespmem:$0x14C00] =	vst v63  }
0x20: {  	_ = 	snop  }
0x21: {  	[tilespmem:s11], [sflag:$0x1] =	stream.indirect.gather [hbm4b:s3+s7], $0x80, s31, s7, $0xb8;
	[tilespmem:$0x14C00] =	vst v63  }
0x22: {  	_ =	swait.ge [sflag:s6], $0x4000  }
0x23: {  	[sflag:s6] =	ssyncset.done $0x0  }
0x24: {  	[sflag:s6] =	ssyncadd.s32 $0xFFFFC000  }
0x25: {  	_ =	swait.ge [sflag:s6], $0x4000  }
0x26: {  	[sflag:s6] =	ssyncset.done $0x0  }
0x27: {  	[sflag:s6] =	ssyncadd.s32 $0xFFFFC000  }
0x28: {  	_ =	swait.ge [sflag:s6], $0x4000  }
0x29: {  	[sflag:s6] =	ssyncset.done $0x0  }
0x2a: {  	[sflag:s6] =	ssyncadd.s32 $0xFFFFC000  }
0x2b: {  	_ =	swait.ge [sflag:s6], $0x4000  }
0x2c: {  	[sflag:s6] =	ssyncset.done $0x0  }
0x2d: {  	[sflag:s6] =	ssyncadd.s32 $0xFFFFC000  }
0x2e: {  	_ =	swait.ge [sflag:s6], $0x4000  }
0x2f: {  	[sflag:s6] =	ssyncset.done $0x0  }
0x30: {  	[sflag:s6] =	ssyncadd.s32 $0xFFFFC000  }
0x31: {  	[hbm4b:s21+s2] =	stream.linear.scatter [tilespmem:s5], [sflag:$0x2], $0x14000, $0x38;
	[tilespmem:$0x14C00] =	vst v63  }
0x32: {  	_ =	swait.ge [sflag:s4], $0x14000  }
0x33: {  	[sflag:s4] =	ssyncset.done $0x0  }
0x34: {  	[sflag:s4] =	ssyncadd.s32 $0xFFFEC000  }
0x35: {  	[tilespmem:s5], [sflag:$0x1] =	stream.indirect.gather [hbm4b:s3+s7], $0x80, s23, s7, $0xb8;
	[tilespmem:$0x14C00] =	vst v63  }
0x36: {  	_ = 	snop  }
0x37: {  	[tilespmem:s8], [sflag:$0x1] =	stream.indirect.gather [hbm4b:s3+s7], $0x80, s24, s7, $0xb8;
	[tilespmem:$0x14C00] =	vst v63  }
0x38: {  	_ = 	snop  }
0x39: {  	[tilespmem:s9], [sflag:$0x1] =	stream.indirect.gather [hbm4b:s3+s7], $0x80, s25, s7, $0xb8;
	[tilespmem:$0x14C00] =	vst v63  }
0x3a: {  	_ = 	snop  }
0x3b: {  	[tilespmem:s10], [sflag:$0x1] =	stream.indirect.gather [hbm4b:s3+s7], $0x80, s26, s7, $0xb8;
	[tilespmem:$0x14C00] =	vst v63  }
0x3c: {  	_ = 	snop  }
0x3d: {  	[tilespmem:s11], [sflag:$0x1] =	stream.indirect.gather [hbm4b:s3+s7], $0x80, s28, s7, $0xb8;
	[tilespmem:$0x14C00] =	vst v63  }
0x3e: {  	_ =	swait.ge [sflag:s6], $0x4000  }
0x3f: {  	[sflag:s6] =	ssyncset.done $0x0  }
0x40: {  	[sflag:s6] =	ssyncadd.s32 $0xFFFFC000  }
0x41: {  	_ =	swait.ge [sflag:s6], $0x4000  }
0x42: {  	[sflag:s6] =	ssyncset.done $0x0  }
0x43: {  	[sflag:s6] =	ssyncadd.s32 $0xFFFFC000  }
0x44: {  	_ =	swait.ge [sflag:s6], $0x4000  }
0x45: {  	[sflag:s6] =	ssyncset.done $0x0  }
0x46: {  	[sflag:s6] =	ssyncadd.s32 $0xFFFFC000  }
0x47: {  	_ =	swait.ge [sflag:s6], $0x4000  }
0x48: {  	[sflag:s6] =	ssyncset.done $0x0  }
0x49: {  	[sflag:s6] =	ssyncadd.s32 $0xFFFFC000  }
0x4a: {  	_ =	swait.ge [sflag:s6], $0x4000  }
0x4b: {  	[sflag:s6] =	ssyncset.done $0x0  }
0x4c: {  	s0 =	rddreg [dreg:$0x5];
	[sflag:s6] =	ssyncadd.s32 $0xFFFFC000  }
0x4d: {  	[hbm4b:s0+s2] =	stream.linear.scatter [tilespmem:s5], [sflag:$0x2], $0x14000, $0x38;
	[tilespmem:$0x14C00] =	vst v63  }
0x4e: {  	_ =	swait.ge [sflag:s4], $0x14000  }
0x4f: {  	[sflag:s4] =	ssyncset.done $0x0  }
0x50: {  	[sflag:s4] =	ssyncadd.s32 $0xFFFEC000  }
0x51: {  	[tilespmem:s5], [sflag:$0x1] =	stream.indirect.gather [hbm4b:s3+s7], $0x80, s17, s7, $0xb8;
	[tilespmem:$0x14C00] =	vst v63  }
0x52: {  	_ = 	snop  }
0x53: {  	[tilespmem:s8], [sflag:$0x1] =	stream.indirect.gather [hbm4b:s3+s7], $0x80, s18, s7, $0xb8;
	[tilespmem:$0x14C00] =	vst v63  }
0x54: {  	_ = 	snop  }
0x55: {  	[tilespmem:s9], [sflag:$0x1] =	stream.indirect.gather [hbm4b:s3+s7], $0x80, s19, s7, $0xb8;
	[tilespmem:$0x14C00] =	vst v63  }
0x56: {  	_ = 	snop  }
0x57: {  	[tilespmem:s10], [sflag:$0x1] =	stream.indirect.gather [hbm4b:s3+s7], $0x80, s20, s7, $0xb8;
	[tilespmem:$0x14C00] =	vst v63  }
0x58: {  	_ = 	snop  }
0x59: {  	[tilespmem:s11], [sflag:$0x1] =	stream.indirect.gather [hbm4b:s3+s7], $0x80, s22, s7, $0xb8;
	[tilespmem:$0x14C00] =	vst v63  }
0x5a: {  	_ =	swait.ge [sflag:s6], $0x4000  }
0x5b: {  	[sflag:s6] =	ssyncset.done $0x0  }
0x5c: {  	[sflag:s6] =	ssyncadd.s32 $0xFFFFC000  }
0x5d: {  	_ =	swait.ge [sflag:s6], $0x4000  }
0x5e: {  	[sflag:s6] =	ssyncset.done $0x0  }
0x5f: {  	[sflag:s6] =	ssyncadd.s32 $0xFFFFC000  }
0x60: {  	_ =	swait.ge [sflag:s6], $0x4000  }
0x61: {  	[sflag:s6] =	ssyncset.done $0x0  }
0x62: {  	[sflag:s6] =	ssyncadd.s32 $0xFFFFC000  }
0x63: {  	_ =	swait.ge [sflag:s6], $0x4000  }
0x64: {  	[sflag:s6] =	ssyncset.done $0x0  }
0x65: {  	[sflag:s6] =	ssyncadd.s32 $0xFFFFC000  }
0x66: {  	_ =	swait.ge [sflag:s6], $0x4000  }
0x67: {  	[sflag:s6] =	ssyncset.done $0x0  }
0x68: {  	s0 =	rddreg [dreg:$0x6];
	[sflag:s6] =	ssyncadd.s32 $0xFFFFC000  }
0x69: {  	[hbm4b:s0+s2] =	stream.linear.scatter [tilespmem:s5], [sflag:$0x2], $0x14000, $0x38;
	[tilespmem:$0x14C00] =	vst v63  }
0x6a: {  	_ =	swait.ge [sflag:s4], $0x14000  }
0x6b: {  	[sflag:s4] =	ssyncset.done $0x0  }
0x6c: {  	[sflag:s4] =	ssyncadd.s32 $0xFFFEC000  }
0x6d: {  	[tilespmem:s5], [sflag:$0x1] =	stream.indirect.gather [hbm4b:s3+s7], $0x80, s12, s7, $0xb8;
	[tilespmem:$0x14C00] =	vst v63  }
0x6e: {  	_ = 	snop  }
0x6f: {  	[tilespmem:s8], [sflag:$0x1] =	stream.indirect.gather [hbm4b:s3+s7], $0x80, s13, s7, $0xb8;
	[tilespmem:$0x14C00] =	vst v63  }
0x70: {  	_ = 	snop  }
0x71: {  	[tilespmem:s9], [sflag:$0x1] =	stream.indirect.gather [hbm4b:s3+s7], $0x80, s14, s7, $0xb8;
	[tilespmem:$0x14C00] =	vst v63  }
0x72: {  	_ = 	snop  }
0x73: {  	[tilespmem:s10], [sflag:$0x1] =	stream.indirect.gather [hbm4b:s3+s7], $0x80, s15, s7, $0xb8;
	[tilespmem:$0x14C00] =	vst v63  }
0x74: {  	_ = 	snop  }
0x75: {  	[tilespmem:s11], [sflag:$0x1] =	stream.indirect.gather [hbm4b:s3+s7], $0x80, s16, s7, $0xb8;
	[tilespmem:$0x14C00] =	vst v63  }
0x76: {  	_ =	swait.ge [sflag:s6], $0x4000  }
0x77: {  	[sflag:s6] =	ssyncset.done $0x0  }
0x78: {  	[sflag:s6] =	ssyncadd.s32 $0xFFFFC000  }
0x79: {  	_ =	swait.ge [sflag:s6], $0x4000  }
0x7a: {  	[sflag:s6] =	ssyncset.done $0x0  }
0x7b: {  	[sflag:s6] =	ssyncadd.s32 $0xFFFFC000  }
0x7c: {  	_ =	swait.ge [sflag:s6], $0x4000  }
0x7d: {  	[sflag:s6] =	ssyncset.done $0x0  }
0x7e: {  	[sflag:s6] =	ssyncadd.s32 $0xFFFFC000  }
0x7f: {  	_ =	swait.ge [sflag:s6], $0x4000  }
0x80: {  	[sflag:s6] =	ssyncset.done $0x0  }
0x81: {  	[sflag:s6] =	ssyncadd.s32 $0xFFFFC000  }
0x82: {  	p1 =	sne.s32 s1, $0x1;
	_ =	swait.ge [sflag:s6], $0x4000  }
.Ltmp1:
0x83: {  	[sflag:s6] =	ssyncset.done $0x0;
	(pc) =	sbr.rel @!p1 .LBB2_3-.Ltmp1, $4  }
0x84: {  	s0 =	rddreg [dreg:$0x7];
	[sflag:s6] =	ssyncadd.s32 $0xFFFFC000  }
0x85: {  	[hbm4b:s0+s2] =	stream.linear.scatter [tilespmem:s5], [sflag:$0x2], $0x14000, $0x38;
	[tilespmem:$0x14C00] =	vst v63  }
0x86: {  	s1 =	sadd.s32 $0xFFFFFFFF, s1;
	_ =	swait.ge [sflag:s4], $0x14000  }
0x87: {  	p0 =	por $0x1, $0x1;
	s0 =	rddreg [dreg:$0x4];
	[sflag:s4] =	ssyncset.done $0x0  }
.LBB2_2:
0x88: {  	[sflag:s4] =	ssyncadd.s32 $0xFFFEC000  }
0x89: {  	[tilespmem:s2], [sflag:$0x2] =	stream.linear.gather [hbm4b:s0+s2], $0xA00, $0x38;
	[tilespmem:$0x14C00] =	vst v63  }
0x8a: {  	_ =	swait.ge [sflag:s4], $0xA00  }
0x8b: {  	[sflag:s4] =	ssyncset.done $0x0  }
0x8c: {  	[sflag:s4] =	ssyncadd.s32 $0xFFFFF600  }
0x8d: {  	[tilespmem:s5], [sflag:$0x1] =	stream.indirect.gather [hbm4b:s3+s7], $0x80, s2, s7, $0xb8;
	[tilespmem:$0x14C00] =	vst v63  }
0x8e: {  	_ = 	snop  }
0x8f: {  	[tilespmem:s8], [sflag:$0x1] =	stream.indirect.gather [hbm4b:s3+s7], $0x80, s7, s7, $0xb8;
	[tilespmem:$0x14C00] =	vst v63  }
0x90: {  	_ = 	snop  }
0x91: {  	[tilespmem:s9], [sflag:$0x1] =	stream.indirect.gather [hbm4b:s3+s7], $0x80, s29, s7, $0xb8;
	[tilespmem:$0x14C00] =	vst v63  }
0x92: {  	_ = 	snop  }
0x93: {  	[tilespmem:s10], [sflag:$0x1] =	stream.indirect.gather [hbm4b:s3+s7], $0x80, s30, s7, $0xb8;
	[tilespmem:$0x14C00] =	vst v63  }
0x94: {  	_ = 	snop  }
0x95: {  	[tilespmem:s11], [sflag:$0x1] =	stream.indirect.gather [hbm4b:s3+s7], $0x80, s31, s7, $0xb8;
	[tilespmem:$0x14C00] =	vst v63  }
0x96: {  	_ =	swait.ge [sflag:s6], $0x4000  }
0x97: {  	[sflag:s6] =	ssyncset.done $0x0  }
0x98: {  	[sflag:s6] =	ssyncadd.s32 $0xFFFFC000  }
0x99: {  	_ =	swait.ge [sflag:s6], $0x4000  }
0x9a: {  	[sflag:s6] =	ssyncset.done $0x0  }
0x9b: {  	[sflag:s6] =	ssyncadd.s32 $0xFFFFC000  }
0x9c: {  	_ =	swait.ge [sflag:s6], $0x4000  }
0x9d: {  	[sflag:s6] =	ssyncset.done $0x0  }
0x9e: {  	[sflag:s6] =	ssyncadd.s32 $0xFFFFC000  }
0x9f: {  	_ =	swait.ge [sflag:s6], $0x4000  }
0xa0: {  	[sflag:s6] =	ssyncset.done $0x0  }
0xa1: {  	[sflag:s6] =	ssyncadd.s32 $0xFFFFC000  }
0xa2: {  	_ =	swait.ge [sflag:s6], $0x4000  }
0xa3: {  	[sflag:s6] =	ssyncset.done $0x0  }
0xa4: {  	[sflag:s6] =	ssyncadd.s32 $0xFFFFC000  }
0xa5: {  	[hbm4b:s21+s2] =	stream.linear.scatter [tilespmem:s5], [sflag:$0x2], $0x14000, $0x38;
	[tilespmem:$0x14C00] =	vst v63  }
0xa6: {  	_ =	swait.ge [sflag:s4], $0x14000  }
0xa7: {  	[sflag:s4] =	ssyncset.done $0x0  }
0xa8: {  	[sflag:s4] =	ssyncadd.s32 $0xFFFEC000  }
0xa9: {  	[tilespmem:s5], [sflag:$0x1] =	stream.indirect.gather [hbm4b:s3+s7], $0x80, s23, s7, $0xb8;
	[tilespmem:$0x14C00] =	vst v63  }
0xaa: {  	_ = 	snop  }
0xab: {  	[tilespmem:s8], [sflag:$0x1] =	stream.indirect.gather [hbm4b:s3+s7], $0x80, s24, s7, $0xb8;
	[tilespmem:$0x14C00] =	vst v63  }
0xac: {  	_ = 	snop  }
0xad: {  	[tilespmem:s9], [sflag:$0x1] =	stream.indirect.gather [hbm4b:s3+s7], $0x80, s25, s7, $0xb8;
	[tilespmem:$0x14C00] =	vst v63  }
0xae: {  	_ = 	snop  }
0xaf: {  	[tilespmem:s10], [sflag:$0x1] =	stream.indirect.gather [hbm4b:s3+s7], $0x80, s26, s7, $0xb8;
	[tilespmem:$0x14C00] =	vst v63  }
0xb0: {  	_ = 	snop  }
0xb1: {  	[tilespmem:s11], [sflag:$0x1] =	stream.indirect.gather [hbm4b:s3+s7], $0x80, s28, s7, $0xb8;
	[tilespmem:$0x14C00] =	vst v63  }
0xb2: {  	_ =	swait.ge [sflag:s6], $0x4000  }
0xb3: {  	[sflag:s6] =	ssyncset.done $0x0  }
0xb4: {  	[sflag:s6] =	ssyncadd.s32 $0xFFFFC000  }
0xb5: {  	_ =	swait.ge [sflag:s6], $0x4000  }
0xb6: {  	[sflag:s6] =	ssyncset.done $0x0  }
0xb7: {  	[sflag:s6] =	ssyncadd.s32 $0xFFFFC000  }
0xb8: {  	_ =	swait.ge [sflag:s6], $0x4000  }
0xb9: {  	[sflag:s6] =	ssyncset.done $0x0  }
0xba: {  	[sflag:s6] =	ssyncadd.s32 $0xFFFFC000  }
0xbb: {  	_ =	swait.ge [sflag:s6], $0x4000  }
0xbc: {  	[sflag:s6] =	ssyncset.done $0x0  }
0xbd: {  	[sflag:s6] =	ssyncadd.s32 $0xFFFFC000  }
0xbe: {  	_ =	swait.ge [sflag:s6], $0x4000  }
0xbf: {  	[sflag:s6] =	ssyncset.done $0x0  }
0xc0: {  	s0 =	rddreg [dreg:$0x5];
	[sflag:s6] =	ssyncadd.s32 $0xFFFFC000  }
0xc1: {  	[hbm4b:s0+s2] =	stream.linear.scatter [tilespmem:s5], [sflag:$0x2], $0x14000, $0x38;
	[tilespmem:$0x14C00] =	vst v63  }
0xc2: {  	_ =	swait.ge [sflag:s4], $0x14000  }
0xc3: {  	[sflag:s4] =	ssyncset.done $0x0  }
0xc4: {  	[sflag:s4] =	ssyncadd.s32 $0xFFFEC000  }
0xc5: {  	[tilespmem:s5], [sflag:$0x1] =	stream.indirect.gather [hbm4b:s3+s7], $0x80, s17, s7, $0xb8;
	[tilespmem:$0x14C00] =	vst v63  }
0xc6: {  	_ = 	snop  }
0xc7: {  	[tilespmem:s8], [sflag:$0x1] =	stream.indirect.gather [hbm4b:s3+s7], $0x80, s18, s7, $0xb8;
	[tilespmem:$0x14C00] =	vst v63  }
0xc8: {  	_ = 	snop  }
0xc9: {  	[tilespmem:s9], [sflag:$0x1] =	stream.indirect.gather [hbm4b:s3+s7], $0x80, s19, s7, $0xb8;
	[tilespmem:$0x14C00] =	vst v63  }
0xca: {  	_ = 	snop  }
0xcb: {  	[tilespmem:s10], [sflag:$0x1] =	stream.indirect.gather [hbm4b:s3+s7], $0x80, s20, s7, $0xb8;
	[tilespmem:$0x14C00] =	vst v63  }
0xcc: {  	_ = 	snop  }
0xcd: {  	[tilespmem:s11], [sflag:$0x1] =	stream.indirect.gather [hbm4b:s3+s7], $0x80, s22, s7, $0xb8;
	[tilespmem:$0x14C00] =	vst v63  }
0xce: {  	_ =	swait.ge [sflag:s6], $0x4000  }
0xcf: {  	[sflag:s6] =	ssyncset.done $0x0  }
0xd0: {  	[sflag:s6] =	ssyncadd.s32 $0xFFFFC000  }
0xd1: {  	_ =	swait.ge [sflag:s6], $0x4000  }
0xd2: {  	[sflag:s6] =	ssyncset.done $0x0  }
0xd3: {  	[sflag:s6] =	ssyncadd.s32 $0xFFFFC000  }
0xd4: {  	_ =	swait.ge [sflag:s6], $0x4000  }
0xd5: {  	[sflag:s6] =	ssyncset.done $0x0  }
0xd6: {  	[sflag:s6] =	ssyncadd.s32 $0xFFFFC000  }
0xd7: {  	_ =	swait.ge [sflag:s6], $0x4000  }
0xd8: {  	[sflag:s6] =	ssyncset.done $0x0  }
0xd9: {  	[sflag:s6] =	ssyncadd.s32 $0xFFFFC000  }
0xda: {  	_ =	swait.ge [sflag:s6], $0x4000  }
0xdb: {  	[sflag:s6] =	ssyncset.done $0x0  }
0xdc: {  	s0 =	rddreg [dreg:$0x6];
	[sflag:s6] =	ssyncadd.s32 $0xFFFFC000  }
0xdd: {  	[hbm4b:s0+s2] =	stream.linear.scatter [tilespmem:s5], [sflag:$0x2], $0x14000, $0x38;
	[tilespmem:$0x14C00] =	vst v63  }
0xde: {  	_ =	swait.ge [sflag:s4], $0x14000  }
0xdf: {  	[sflag:s4] =	ssyncset.done $0x0  }
0xe0: {  	[sflag:s4] =	ssyncadd.s32 $0xFFFEC000  }
0xe1: {  	[tilespmem:s5], [sflag:$0x1] =	stream.indirect.gather [hbm4b:s3+s7], $0x80, s12, s7, $0xb8;
	[tilespmem:$0x14C00] =	vst v63  }
0xe2: {  	_ = 	snop  }
0xe3: {  	[tilespmem:s8], [sflag:$0x1] =	stream.indirect.gather [hbm4b:s3+s7], $0x80, s13, s7, $0xb8;
	[tilespmem:$0x14C00] =	vst v63  }
0xe4: {  	_ = 	snop  }
0xe5: {  	[tilespmem:s9], [sflag:$0x1] =	stream.indirect.gather [hbm4b:s3+s7], $0x80, s14, s7, $0xb8;
	[tilespmem:$0x14C00] =	vst v63  }
0xe6: {  	_ = 	snop  }
0xe7: {  	[tilespmem:s10], [sflag:$0x1] =	stream.indirect.gather [hbm4b:s3+s7], $0x80, s15, s7, $0xb8;
	[tilespmem:$0x14C00] =	vst v63  }
0xe8: {  	_ = 	snop  }
0xe9: {  	[tilespmem:s11], [sflag:$0x1] =	stream.indirect.gather [hbm4b:s3+s7], $0x80, s16, s7, $0xb8;
	[tilespmem:$0x14C00] =	vst v63  }
0xea: {  	_ =	swait.ge [sflag:s6], $0x4000  }
0xeb: {  	[sflag:s6] =	ssyncset.done $0x0  }
0xec: {  	[sflag:s6] =	ssyncadd.s32 $0xFFFFC000  }
0xed: {  	_ =	swait.ge [sflag:s6], $0x4000  }
0xee: {  	[sflag:s6] =	ssyncset.done $0x0  }
0xef: {  	[sflag:s6] =	ssyncadd.s32 $0xFFFFC000  }
0xf0: {  	_ =	swait.ge [sflag:s6], $0x4000  }
0xf1: {  	[sflag:s6] =	ssyncset.done $0x0  }
0xf2: {  	[sflag:s6] =	ssyncadd.s32 $0xFFFFC000  }
0xf3: {  	_ =	swait.ge [sflag:s6], $0x4000  }
0xf4: {  	[sflag:s6] =	ssyncset.done $0x0  }
0xf5: {  	[sflag:s6] =	ssyncadd.s32 $0xFFFFC000  }
0xf6: {  	p1 =	sne.s32 s1, $0x1;
	_ =	swait.ge [sflag:s6], $0x4000  }
.Ltmp2:
0xf7: {  	[sflag:s6] =	ssyncset.done $0x0;
	(pc) =	sbr.rel @p1 .LBB2_2-.Ltmp2, $4  }
0xf8: {  	s0 =	rddreg [dreg:$0x7];
	[sflag:s6] =	ssyncadd.s32 $0xFFFFC000  }
0xf9: {  	[hbm4b:s0+s2] =	stream.linear.scatter [tilespmem:s5], [sflag:$0x2], $0x14000, $0x38;
	[tilespmem:$0x14C00] =	vst v63  }
0xfa: {  	_ =	swait.ge [sflag:s4], $0x14000  }
0xfb: {  	s1 =	sadd.s32 $0xFFFFFFFF, s1;
	s0 =	rddreg [dreg:$0x4];
	[sflag:s4] =	ssyncset.done $0x0  }
.LBB2_3:
0xfc: {  	[sflag:s4] =	ssyncadd.s32 @p0 $0xFFFEC000  }
0xfd: {  	[tilespmem:s2], [sflag:$0x2] =	stream.linear.gather [hbm4b:s0+s2], $0xA00, $0x38;
	[tilespmem:$0x14C00] =	vst v63  }
0xfe: {  	_ =	swait.ge [sflag:s4], $0xA00  }
0xff: {  	[sflag:s4] =	ssyncset.done $0x0  }
0x100: {  	[sflag:s4] =	ssyncadd.s32 $0xFFFFF600  }
0x101: {  	[tilespmem:s5], [sflag:$0x1] =	stream.indirect.gather [hbm4b:s3+s7], $0x80, s2, s7, $0xb8;
	[tilespmem:$0x14C00] =	vst v63  }
0x102: {  	_ = 	snop  }
0x103: {  	[tilespmem:s8], [sflag:$0x1] =	stream.indirect.gather [hbm4b:s3+s7], $0x80, s7, s7, $0xb8;
	[tilespmem:$0x14C00] =	vst v63  }
0x104: {  	_ = 	snop  }
0x105: {  	[tilespmem:s9], [sflag:$0x1] =	stream.indirect.gather [hbm4b:s3+s7], $0x80, s29, s7, $0xb8;
	[tilespmem:$0x14C00] =	vst v63  }
0x106: {  	_ = 	snop  }
0x107: {  	[tilespmem:s10], [sflag:$0x1] =	stream.indirect.gather [hbm4b:s3+s7], $0x80, s30, s7, $0xb8;
	[tilespmem:$0x14C00] =	vst v63  }
0x108: {  	_ = 	snop  }
0x109: {  	[tilespmem:s11], [sflag:$0x1] =	stream.indirect.gather [hbm4b:s3+s7], $0x80, s31, s7, $0xb8;
	[tilespmem:$0x14C00] =	vst v63  }
0x10a: {  	_ =	swait.ge [sflag:s6], $0x4000  }
0x10b: {  	[sflag:s6] =	ssyncset.done $0x0  }
0x10c: {  	[sflag:s6] =	ssyncadd.s32 $0xFFFFC000  }
0x10d: {  	_ =	swait.ge [sflag:s6], $0x4000  }
0x10e: {  	[sflag:s6] =	ssyncset.done $0x0  }
0x10f: {  	[sflag:s6] =	ssyncadd.s32 $0xFFFFC000  }
0x110: {  	_ =	swait.ge [sflag:s6], $0x4000  }
0x111: {  	[sflag:s6] =	ssyncset.done $0x0  }
0x112: {  	[sflag:s6] =	ssyncadd.s32 $0xFFFFC000  }
0x113: {  	_ =	swait.ge [sflag:s6], $0x4000  }
0x114: {  	[sflag:s6] =	ssyncset.done $0x0  }
0x115: {  	[sflag:s6] =	ssyncadd.s32 $0xFFFFC000  }
0x116: {  	_ =	swait.ge [sflag:s6], $0x4000  }
0x117: {  	[sflag:s6] =	ssyncset.done $0x0  }
0x118: {  	[sflag:s6] =	ssyncadd.s32 $0xFFFFC000  }
0x119: {  	[hbm4b:s21+s2] =	stream.linear.scatter [tilespmem:s5], [sflag:$0x2], $0x14000, $0x38;
	[tilespmem:$0x14C00] =	vst v63  }
0x11a: {  	_ =	swait.ge [sflag:s4], $0x14000  }
0x11b: {  	[sflag:s4] =	ssyncset.done $0x0  }
0x11c: {  	[sflag:s4] =	ssyncadd.s32 $0xFFFEC000  }
0x11d: {  	[tilespmem:s5], [sflag:$0x1] =	stream.indirect.gather [hbm4b:s3+s7], $0x80, s23, s7, $0xb8;
	[tilespmem:$0x14C00] =	vst v63  }
0x11e: {  	_ = 	snop  }
0x11f: {  	[tilespmem:s8], [sflag:$0x1] =	stream.indirect.gather [hbm4b:s3+s7], $0x80, s24, s7, $0xb8;
	[tilespmem:$0x14C00] =	vst v63  }
0x120: {  	_ = 	snop  }
0x121: {  	[tilespmem:s9], [sflag:$0x1] =	stream.indirect.gather [hbm4b:s3+s7], $0x80, s25, s7, $0xb8;
	[tilespmem:$0x14C00] =	vst v63  }
0x122: {  	_ = 	snop  }
0x123: {  	[tilespmem:s10], [sflag:$0x1] =	stream.indirect.gather [hbm4b:s3+s7], $0x80, s26, s7, $0xb8;
	[tilespmem:$0x14C00] =	vst v63  }
0x124: {  	_ = 	snop  }
0x125: {  	[tilespmem:s11], [sflag:$0x1] =	stream.indirect.gather [hbm4b:s3+s7], $0x80, s28, s7, $0xb8;
	[tilespmem:$0x14C00] =	vst v63  }
0x126: {  	_ =	swait.ge [sflag:s6], $0x4000  }
0x127: {  	[sflag:s6] =	ssyncset.done $0x0  }
0x128: {  	[sflag:s6] =	ssyncadd.s32 $0xFFFFC000  }
0x129: {  	_ =	swait.ge [sflag:s6], $0x4000  }
0x12a: {  	[sflag:s6] =	ssyncset.done $0x0  }
0x12b: {  	[sflag:s6] =	ssyncadd.s32 $0xFFFFC000  }
0x12c: {  	_ =	swait.ge [sflag:s6], $0x4000  }
0x12d: {  	[sflag:s6] =	ssyncset.done $0x0  }
0x12e: {  	[sflag:s6] =	ssyncadd.s32 $0xFFFFC000  }
0x12f: {  	_ =	swait.ge [sflag:s6], $0x4000  }
0x130: {  	[sflag:s6] =	ssyncset.done $0x0  }
0x131: {  	[sflag:s6] =	ssyncadd.s32 $0xFFFFC000  }
0x132: {  	_ =	swait.ge [sflag:s6], $0x4000  }
0x133: {  	[sflag:s6] =	ssyncset.done $0x0  }
0x134: {  	s28 =	rddreg [dreg:$0x5];
	[sflag:s6] =	ssyncadd.s32 $0xFFFFC000  }
0x135: {  	[hbm4b:s28+s2] =	stream.linear.scatter [tilespmem:s5], [sflag:$0x2], $0x14000, $0x38;
	[tilespmem:$0x14C00] =	vst v63  }
0x136: {  	_ =	swait.ge [sflag:s4], $0x14000  }
0x137: {  	[sflag:s4] =	ssyncset.done $0x0  }
0x138: {  	[sflag:s4] =	ssyncadd.s32 $0xFFFEC000  }
0x139: {  	[tilespmem:s5], [sflag:$0x1] =	stream.indirect.gather [hbm4b:s3+s7], $0x80, s17, s7, $0xb8;
	[tilespmem:$0x14C00] =	vst v63  }
0x13a: {  	_ = 	snop  }
0x13b: {  	[tilespmem:s8], [sflag:$0x1] =	stream.indirect.gather [hbm4b:s3+s7], $0x80, s18, s7, $0xb8;
	[tilespmem:$0x14C00] =	vst v63  }
0x13c: {  	_ = 	snop  }
0x13d: {  	[tilespmem:s9], [sflag:$0x1] =	stream.indirect.gather [hbm4b:s3+s7], $0x80, s19, s7, $0xb8;
	[tilespmem:$0x14C00] =	vst v63  }
0x13e: {  	_ = 	snop  }
0x13f: {  	[tilespmem:s10], [sflag:$0x1] =	stream.indirect.gather [hbm4b:s3+s7], $0x80, s20, s7, $0xb8;
	[tilespmem:$0x14C00] =	vst v63  }
0x140: {  	_ = 	snop  }
0x141: {  	[tilespmem:s11], [sflag:$0x1] =	stream.indirect.gather [hbm4b:s3+s7], $0x80, s22, s7, $0xb8;
	[tilespmem:$0x14C00] =	vst v63  }
0x142: {  	_ =	swait.ge [sflag:s6], $0x4000  }
0x143: {  	[sflag:s6] =	ssyncset.done $0x0  }
0x144: {  	[sflag:s6] =	ssyncadd.s32 $0xFFFFC000  }
0x145: {  	_ =	swait.ge [sflag:s6], $0x4000  }
0x146: {  	[sflag:s6] =	ssyncset.done $0x0  }
0x147: {  	[sflag:s6] =	ssyncadd.s32 $0xFFFFC000  }
0x148: {  	_ =	swait.ge [sflag:s6], $0x4000  }
0x149: {  	[sflag:s6] =	ssyncset.done $0x0  }
0x14a: {  	[sflag:s6] =	ssyncadd.s32 $0xFFFFC000  }
0x14b: {  	_ =	swait.ge [sflag:s6], $0x4000  }
0x14c: {  	[sflag:s6] =	ssyncset.done $0x0  }
0x14d: {  	[sflag:s6] =	ssyncadd.s32 $0xFFFFC000  }
0x14e: {  	_ =	swait.ge [sflag:s6], $0x4000  }
0x14f: {  	[sflag:s6] =	ssyncset.done $0x0  }
0x150: {  	s29 =	rddreg [dreg:$0x6];
	[sflag:s6] =	ssyncadd.s32 $0xFFFFC000  }
0x151: {  	[hbm4b:s29+s2] =	stream.linear.scatter [tilespmem:s5], [sflag:$0x2], $0x14000, $0x38;
	[tilespmem:$0x14C00] =	vst v63  }
0x152: {  	_ =	swait.ge [sflag:s4], $0x14000  }
0x153: {  	[sflag:s4] =	ssyncset.done $0x0  }
0x154: {  	[sflag:s4] =	ssyncadd.s32 $0xFFFEC000  }
0x155: {  	[tilespmem:s5], [sflag:$0x1] =	stream.indirect.gather [hbm4b:s3+s7], $0x80, s12, s7, $0xb8;
	[tilespmem:$0x14C00] =	vst v63  }
0x156: {  	_ = 	snop  }
0x157: {  	[tilespmem:s8], [sflag:$0x1] =	stream.indirect.gather [hbm4b:s3+s7], $0x80, s13, s7, $0xb8;
	[tilespmem:$0x14C00] =	vst v63  }
0x158: {  	_ = 	snop  }
0x159: {  	[tilespmem:s9], [sflag:$0x1] =	stream.indirect.gather [hbm4b:s3+s7], $0x80, s14, s7, $0xb8;
	[tilespmem:$0x14C00] =	vst v63  }
0x15a: {  	_ = 	snop  }
0x15b: {  	[tilespmem:s10], [sflag:$0x1] =	stream.indirect.gather [hbm4b:s3+s7], $0x80, s15, s7, $0xb8;
	[tilespmem:$0x14C00] =	vst v63  }
0x15c: {  	_ = 	snop  }
0x15d: {  	[tilespmem:s11], [sflag:$0x1] =	stream.indirect.gather [hbm4b:s3+s7], $0x80, s16, s7, $0xb8;
	[tilespmem:$0x14C00] =	vst v63  }
0x15e: {  	_ =	swait.ge [sflag:s6], $0x4000  }
0x15f: {  	[sflag:s6] =	ssyncset.done $0x0  }
0x160: {  	[sflag:s6] =	ssyncadd.s32 $0xFFFFC000  }
0x161: {  	_ =	swait.ge [sflag:s6], $0x4000  }
0x162: {  	[sflag:s6] =	ssyncset.done $0x0  }
0x163: {  	[sflag:s6] =	ssyncadd.s32 $0xFFFFC000  }
0x164: {  	_ =	swait.ge [sflag:s6], $0x4000  }
0x165: {  	[sflag:s6] =	ssyncset.done $0x0  }
0x166: {  	[sflag:s6] =	ssyncadd.s32 $0xFFFFC000  }
0x167: {  	_ =	swait.ge [sflag:s6], $0x4000  }
0x168: {  	[sflag:s6] =	ssyncset.done $0x0  }
0x169: {  	[sflag:s6] =	ssyncadd.s32 $0xFFFFC000  }
0x16a: {  	_ =	swait.ge [sflag:s6], $0x4000  }
0x16b: {  	[sflag:s6] =	ssyncset.done $0x0  }
0x16c: {  	s30 =	rddreg [dreg:$0x7];
	[sflag:s6] =	ssyncadd.s32 $0xFFFFC000  }
0x16d: {  	[hbm4b:s30+s2] =	stream.linear.scatter [tilespmem:s5], [sflag:$0x2], $0x14000, $0x38;
	[tilespmem:$0x14C00] =	vst v63  }
0x16e: {  	_ =	swait.ge [sflag:s4], $0x14000  }
0x16f: {  	[sflag:s4] =	ssyncset.done $0x0  }
0x170: {  	[sflag:s4] =	ssyncadd.s32 $0xFFFEC000  }
0x171: {  	_ =	sfence.sel $0x180000  }
0x172: {  	[bflag:$0x0] =	sbarrier.arrive $0xFFFF  }
0x173: {  	_ =	strace $0x90000047  }
0x174: {  	s31 =	stileid.u32;
	[bflag:$0x2] =	sbarrier.arrive $0xFFFF  }
0x175: {  	p0 =	sne.s32 s31, $0x0;
	s0 =	rddreg [dreg:$0x3]  }
0x176: {  	s0 =	sadd.s32 @!p0 $0x100000, s0  }
0x177: {  	[sflag:s0] =	ssyncadd.tile.s32 @!p0 $0x1;
	_ =	shalt  }
.Lfunc_end2:
_tile_overlayer_lowered:
.L_overlay_start_2:
0x178: {  	(tag) =	ssettag $0x2  }
0x179: {  	s0 =	rddreg [dreg:$0x0];
	s2 =	stileid.u32  }
0x17a: {  	s1 =	rddreg [dreg:$0x1];
	p0 =	sne.s32 s2, $0x0  }
0x17b: {  	s3 =	rddreg [dreg:$0x2];
	[bflag:$0x3] =	sbarrier.arrive $0xFFFF;
	s2 =	simm.s32 @!p0 $0x1C02  }
0x17c: {  	[timem:s3], [sflag:s2] =	dma.local @!p0 [hbm:s0], s1  }
0x17d: {  	s0 =	simm.s32 @!p0 $0x2  }
0x17e: {  	_ =	swait.ge @!p0 [sflag:s0], s1  }
0x17f: {  	s1 =	ssub.s32 @!p0 $0x0, s1;
	[sflag:s0] =	ssyncset.done @!p0 $0x0  }
0x180: {  	[sflag:s0] =	ssyncadd.s32 @!p0 s1  }
0x181: {  	[bflag:$0x3] =	sbarrier.arrive $0xFFFF  }
0x182: {  	_ =	shalt  }

</sc_bundles>
